<compile_context>
chip_gen: v7x
topology: tpu7x:2x2x1
jax: 0.10.2.dev20260603
libtpu: 0.0.44.dev20260713+nightly
codegen_flags: <defaults>
</compile_context>

<pallas_src>
import functools

import jax
import jax.numpy as jnp
from jax import lax
from jax.experimental import pallas as pl
from jax.experimental.pallas import tpu as pltpu
from jax.experimental.pallas import tpu_sc as plsc

N = 10000
EM = 160000
EW = 32000
D = 128

NW = 32
CH = 128

GM = 2 * EM // CH
GW = 2 * EW // CH

MC = EM // CH
WC = EW // CH
MBUF = -(-MC // NW)
WBUF = -(-WC // NW)


def _mesh():
    return plsc.VectorSubcoreMesh(core_axis_name="c", subcore_axis_name="s")


_SC_PARAMS = pltpu.CompilerParams(use_tc_tiling_on_sc=False)


def _gather_body(ntot, nbuf, x_hbm, idx_hbm, out_hbm, idx_v,
                 r0, r1, r2, r3, g0, g1, g2, g3, t0, t1, t2, t3):
    wid = lax.axis_index("s") * 2 + lax.axis_index("c")
    lo = (wid * ntot) // NW
    cnt = ((wid + 1) * ntot) // NW - lo
    pltpu.sync_copy(idx_hbm.at[pl.ds(lo, nbuf)], idx_v)
    rows = (r0, r1, r2, r3)
    gsem = (g0, g1, g2, g3)
    ssem = (t0, t1, t2, t3)
    for b in range(2):
        pltpu.async_copy(x_hbm.at[idx_v.at[b]], rows[b], gsem[b])

    def round_body(r, carry):
        for jj in range(4):
            j = r * 4 + jj
            b2 = (jj + 2) % 4

            @pl.when(j + 2 < cnt)
            def _():
                @pl.when(j >= 2)
                def _():
                    pltpu.make_async_copy(
                        rows[b2], out_hbm.at[pl.ds(0, CH)], ssem[b2]).wait()
                pltpu.async_copy(x_hbm.at[idx_v.at[j + 2]], rows[b2], gsem[b2])

            @pl.when(j < cnt)
            def _():
                pltpu.make_async_copy(
                    x_hbm.at[idx_v.at[j]], rows[jj], gsem[jj]).wait()
                pltpu.async_copy(rows[jj], out_hbm.at[pl.ds((lo + j) * CH, CH)],
                                 ssem[jj])
        return carry

    lax.fori_loop(0, -(-nbuf // 4), round_body, 0)
    for b in range(4):
        pltpu.make_async_copy(rows[b], out_hbm.at[pl.ds(0, CH)], ssem[b]).wait()


def _make_gather(ntot):
  nbuf = -(-ntot // NW)

  @jax.jit
  def run(x, idx2d):
    return pl.kernel(
        functools.partial(_gather_body, ntot, nbuf),
        out_type=jax.ShapeDtypeStruct((ntot * CH, D), jnp.float32),
        mesh=_mesh(),
        compiler_params=_SC_PARAMS,
        scratch_types=[
            pltpu.VMEM((nbuf, CH), jnp.int32),
            pltpu.VMEM((CH, D), jnp.float32),
            pltpu.VMEM((CH, D), jnp.float32),
            pltpu.VMEM((CH, D), jnp.float32),
            pltpu.VMEM((CH, D), jnp.float32),
            pltpu.SemaphoreType.DMA,
            pltpu.SemaphoreType.DMA,
            pltpu.SemaphoreType.DMA,
            pltpu.SemaphoreType.DMA,
            pltpu.SemaphoreType.DMA,
            pltpu.SemaphoreType.DMA,
            pltpu.SemaphoreType.DMA,
            pltpu.SemaphoreType.DMA,
        ],
    )(x, idx2d)

  return run


_gather_mesh_h = _make_gather(GM // 2)
_gather_world = _make_gather(GW)


def _scatter_body(nchunks, nbuf, vals_hbm, idx_hbm, zt_hbm, out_hbm,
                  idx_v, r0, r1, s0, s1, shared):
    cid = lax.axis_index("c")
    sid = lax.axis_index("s")
    wid = sid * 2 + cid
    slab = N // 16
    pltpu.sync_copy(zt_hbm, shared.at[pl.ds(sid * slab, slab)])
    plsc.subcore_barrier()

    lo = (wid * nchunks) // NW
    cnt = ((wid + 1) * nchunks) // NW - lo
    pltpu.sync_copy(idx_hbm.at[pl.ds(lo, nbuf)], idx_v)
    rows = (r0, r1)
    sems = (s0, s1)
    for b in range(2):
        pltpu.async_copy(vals_hbm.at[pl.ds((lo + b) * CH, CH)], rows[b], sems[b])

    def round_body(r, carry):
        for b in range(2):
            j = r * 2 + b

            @pl.when(j < cnt)
            def _():
                pltpu.make_async_copy(
                    vals_hbm.at[pl.ds((lo + j) * CH, CH)], rows[b], sems[b]).wait()
                pltpu.sync_copy(rows[b], shared.at[idx_v.at[j]], add=True)

                @pl.when(j + 2 < cnt)
                def _():
                    pltpu.async_copy(
                        vals_hbm.at[pl.ds((lo + j + 2) * CH, CH)], rows[b], sems[b])
        return carry

    lax.fori_loop(0, (nbuf + 1) // 2, round_body, 0)
    plsc.subcore_barrier()
    pltpu.sync_copy(shared.at[pl.ds(sid * slab, slab)],
                    out_hbm.at[pl.ds(cid * N + sid * slab, slab)])


def _make_scatter(nchunks, nbuf):
    @jax.jit
    def run(vals, idx2d, zt):
        return pl.kernel(
            functools.partial(_scatter_body, nchunks, nbuf),
            out_type=jax.ShapeDtypeStruct((2 * N, D), jnp.float32),
            mesh=_mesh(),
            compiler_params=_SC_PARAMS,
            scratch_types=[
                pltpu.VMEM((nbuf, CH), jnp.int32),
                pltpu.VMEM((CH, D), jnp.float32),
                pltpu.VMEM((CH, D), jnp.float32),
                pltpu.SemaphoreType.DMA,
                pltpu.SemaphoreType.DMA,
                pltpu.VMEM_SHARED((N, D), jnp.float32),
            ],
        )(vals, idx2d, zt)

    return run


_scatter_mesh = _make_scatter(MC, MBUF)
_scatter_world = _make_scatter(WC, WBUF)


def _counts_body(nchunks, nbuf, ones_hbm, idx_hbm, zt_hbm, out_hbm,
                 idx_v, ones_v, shared):
    cid = lax.axis_index("c")
    sid = lax.axis_index("s")
    wid = sid * 2 + cid
    slab = N // 16
    pltpu.sync_copy(zt_hbm, shared.at[pl.ds(sid * slab, slab)])
    pltpu.sync_copy(ones_hbm, ones_v)
    plsc.subcore_barrier()

    lo = (wid * nchunks) // NW
    cnt = ((wid + 1) * nchunks) // NW - lo
    pltpu.sync_copy(idx_hbm.at[pl.ds(lo, nbuf)], idx_v)

    def body(j, carry):
        pltpu.sync_copy(ones_v, shared.at[idx_v.at[j]], add=True)
        return carry

    lax.fori_loop(0, cnt, body, 0)
    plsc.subcore_barrier()
    pltpu.sync_copy(shared.at[pl.ds(sid * slab, slab)],
                    out_hbm.at[pl.ds(cid * N + sid * slab, slab)])


def _make_counts(nchunks, nbuf):
    @jax.jit
    def run(ones_t, idx2d, zt):
        return pl.kernel(
            functools.partial(_counts_body, nchunks, nbuf),
            out_type=jax.ShapeDtypeStruct((2 * N, D), jnp.float32),
            mesh=_mesh(),
            compiler_params=_SC_PARAMS,
            scratch_types=[
                pltpu.VMEM((nbuf, CH), jnp.int32),
                pltpu.VMEM((CH, D), jnp.float32),
                pltpu.VMEM_SHARED((N, D), jnp.float32),
            ],
        )(ones_t, idx2d, zt)

    return run


_counts_mesh = _make_counts(MC, MBUF)
_counts_world = _make_counts(WC, WBUF)


def _mlp_ln(pre, W2, b2, W3, b3, g, beta):
    h = jax.nn.relu(pre)
    h = jax.nn.relu(jnp.dot(h, W2, preferred_element_type=jnp.float32) + b2)
    h = jnp.dot(h, W3, preferred_element_type=jnp.float32) + b3
    mu = jnp.mean(h, axis=-1, keepdims=True)
    hc = h - mu
    var = jnp.mean(hc * hc, axis=-1, keepdims=True)
    return hc * lax.rsqrt(var + 1e-5) * g + beta


def _edge_body(xs_ref, xr_ref, ea_ref, W1a, W1b, W1c, W2, W3,
               b1, b2, b3, g, beta, out_ref):
    xs = xs_ref[...]
    xr = xr_ref[...]
    ea = ea_ref[...]
    pre = (jnp.dot(xs, W1a[...], preferred_element_type=jnp.float32)
           + jnp.dot(xr, W1b[...], preferred_element_type=jnp.float32)
           + jnp.dot(ea, W1c[...], preferred_element_type=jnp.float32)
           + b1[...])
    out_ref[...] = ea + _mlp_ln(pre, W2[...], b2[...], W3[...], b3[...],
                                g[...], beta[...])


def _make_edge(nblocks, bs, off_s, off_r):
    wspec = pl.BlockSpec((D, D), lambda i: (0, 0))
    vspec = pl.BlockSpec((1, D), lambda i: (0, 0))

    @jax.jit
    def run(gat, ea, W1a, W1b, W1c, W2, W3, b1, b2, b3, g, beta):
        return pl.pallas_call(
            _edge_body,
            grid=(nblocks,),
            in_specs=[
                pl.BlockSpec((bs, D), lambda i: (i + off_s, 0)),
                pl.BlockSpec((bs, D), lambda i: (i + off_r, 0)),
                pl.BlockSpec((bs, D), lambda i: (i, 0)),
                wspec, wspec, wspec, wspec, wspec,
                vspec, vspec, vspec, vspec, vspec,
            ],
            out_specs=pl.BlockSpec((bs, D), lambda i: (i, 0)),
            out_shape=jax.ShapeDtypeStruct(ea.shape, jnp.float32),
        )(gat, gat, ea, W1a, W1b, W1c, W2, W3, b1, b2, b3, g, beta)

    return run


EB = 8000
_edge_world = _make_edge(EW // EB, EB, 0, EW // EB)

EMH = EM // 2


def _edge_body_p(xs_ref, xr_ref, ea_ref, prev_ref, W1a, W1b, W1c, W2, W3,
                 b1, b2, b3, g, beta, out_ref):
    del prev_ref
    _edge_body(xs_ref, xr_ref, ea_ref, W1a, W1b, W1c, W2, W3,
               b1, b2, b3, g, beta, out_ref)


_NBH = EMH // EB


@jax.jit
def _edge_mesh_h0(gat, ea, W1a, W1b, W1c, W2, W3, b1, b2, b3, g, beta):
    wspec = pl.BlockSpec((D, D), lambda i: (0, 0))
    vspec = pl.BlockSpec((1, D), lambda i: (0, 0))
    return pl.pallas_call(
        _edge_body,
        grid=(_NBH,),
        in_specs=[
            pl.BlockSpec((EB, D), lambda i: (i, 0)),
            pl.BlockSpec((EB, D), lambda i: (i + _NBH, 0)),
            pl.BlockSpec((EB, D), lambda i: (i, 0)),
            wspec, wspec, wspec, wspec, wspec,
            vspec, vspec, vspec, vspec, vspec,
        ],
        out_specs=pl.BlockSpec((EB, D), lambda i: (i, 0)),
        out_shape=jax.ShapeDtypeStruct((EM, D), jnp.float32),
    )(gat, gat, ea, W1a, W1b, W1c, W2, W3, b1, b2, b3, g, beta)


@jax.jit
def _edge_mesh_h1(gat, ea, prev, W1a, W1b, W1c, W2, W3, b1, b2, b3, g, beta):
    wspec = pl.BlockSpec((D, D), lambda i: (0, 0))
    vspec = pl.BlockSpec((1, D), lambda i: (0, 0))
    return pl.pallas_call(
        _edge_body_p,
        grid=(_NBH,),
        in_specs=[
            pl.BlockSpec((EB, D), lambda i: (i, 0)),
            pl.BlockSpec((EB, D), lambda i: (i + _NBH, 0)),
            pl.BlockSpec((EB, D), lambda i: (i + _NBH, 0)),
            pl.BlockSpec(memory_space=pl.ANY),
            wspec, wspec, wspec, wspec, wspec,
            vspec, vspec, vspec, vspec, vspec,
        ],
        out_specs=pl.BlockSpec((EB, D), lambda i: (i + _NBH, 0)),
        out_shape=jax.ShapeDtypeStruct((EM, D), jnp.float32),
        input_output_aliases={3: 0},
    )(gat, gat, ea, prev, W1a, W1b, W1c, W2, W3, b1, b2, b3, g, beta)


def _node_body(x_ref, sm0, sm1, sw0, sw1, cm0, cm1, cw0, cw1,
               W1a, W1b, W1c, W2, W3, b1, b2, b3, g, beta, out_ref):
    x = x_ref[...]
    aggm = (sm0[...] + sm1[...]) / jnp.maximum(cm0[...] + cm1[...], 1.0)
    aggw = (sw0[...] + sw1[...]) / jnp.maximum(cw0[...] + cw1[...], 1.0)
    pre = (jnp.dot(x, W1a[...], preferred_element_type=jnp.float32)
           + jnp.dot(aggm, W1b[...], preferred_element_type=jnp.float32)
           + jnp.dot(aggw, W1c[...], preferred_element_type=jnp.float32)
           + b1[...])
    out_ref[...] = x + _mlp_ln(pre, W2[...], b2[...], W3[...], b3[...],
                               g[...], beta[...])


NB_BLK = 2000


@jax.jit
def _node(x, summ, sumw, cntm, cntw, W1a, W1b, W1c, W2, W3, b1, b2, b3, g, beta):
    nblocks = N // NB_BLK
    off = N // NB_BLK
    wspec = pl.BlockSpec((D, D), lambda i: (0, 0))
    vspec = pl.BlockSpec((1, D), lambda i: (0, 0))
    blk = lambda: pl.BlockSpec((NB_BLK, D), lambda i: (i, 0))
    blk_off = lambda: pl.BlockSpec((NB_BLK, D), lambda i: (i + off, 0))
    return pl.pallas_call(
        _node_body,
        grid=(nblocks,),
        in_specs=[
            blk(),
            blk(), blk_off(),
            blk(), blk_off(),
            blk(), blk_off(),
            blk(), blk_off(),
            wspec, wspec, wspec, wspec, wspec,
            vspec, vspec, vspec, vspec, vspec,
        ],
        out_specs=pl.BlockSpec((NB_BLK, D), lambda i: (i, 0)),
        out_shape=jax.ShapeDtypeStruct((N, D), jnp.float32),
    )(x, summ, summ, sumw, sumw, cntm, cntm, cntw, cntw,
      W1a, W1b, W1c, W2, W3, b1, b2, b3, g, beta)


def _pad2d(idx, rows):
    return jnp.pad(idx, (0, rows * CH - idx.shape[0])).reshape(rows, CH)


def kernel(x, mesh_edge_index, mesh_edge_attr, world_edge_index, world_edge_attr,
           W1, b1, W2, b2, W3, b3, g, beta):
    steps = W1.shape[0]
    sm, rm = mesh_edge_index[0], mesh_edge_index[1]
    sw, rw = world_edge_index[0], world_edge_index[1]

    idx_m0 = _pad2d(jnp.concatenate([sm[:EMH], rm[:EMH]]), GM // 2)
    idx_m1 = _pad2d(jnp.concatenate([sm[EMH:], rm[EMH:]]), GM // 2)
    idx_gw = _pad2d(jnp.concatenate([sw, rw]), GW)
    rm2 = _pad2d(rm, MC + MBUF)
    rw2 = _pad2d(rw, WC + WBUF)
    zt = jnp.zeros((N // 16, D), jnp.float32)
    ones_t = jnp.ones((CH, D), jnp.float32)

    cntm = _counts_mesh(ones_t, rm2, zt)
    cntw = _counts_world(ones_t, rw2, zt)

    def wp(si, m):
        return (W1[si, m, :D], W1[si, m, D:2 * D], W1[si, m, 2 * D:],
                W2[si, m], W3[si, m],
                b1[si, m].reshape(1, D), b2[si, m].reshape(1, D),
                b3[si, m].reshape(1, D), g[si, m].reshape(1, D),
                beta[si, m].reshape(1, D))

    for si in range(steps):
        g0 = _gather_mesh_h(x, idx_m0)
        g1 = _gather_mesh_h(x, idx_m1)
        gat_w = _gather_world(x, idx_gw)
        half0 = _edge_mesh_h0(g0, mesh_edge_attr, *wp(si, 0))
        mesh_edge_attr = _edge_mesh_h1(g1, mesh_edge_attr, half0, *wp(si, 0))
        summ = _scatter_mesh(mesh_edge_attr, rm2, zt)
        world_edge_attr = _edge_world(gat_w, world_edge_attr, *wp(si, 1))
        sumw = _scatter_world(world_edge_attr, rw2, zt)
        x = _node(x, summ, sumw, cntm, cntw, *wp(si, 2))

    return (x, mesh_edge_attr, world_edge_attr)

# --- scband reference (transcript-rebuilt; emitter-appended) ---
"""Pipeline reference for scband-processor-29137058136348 (READ-ONLY COPY).

The authoritative reference and input builder live on the scoring server;
editing this copy changes nothing except your own understanding.
"""

import jax, jax.numpy as jnp
import numpy as np

N = 10000
EM = 160000
EW = 32000
D = 128
S = 2


def _mlp(x, W1, b1, W2, b2, W3, b3, g, beta):
    h = jax.nn.relu(x @ W1 + b1)
    h = jax.nn.relu(h @ W2 + b2)
    h = h @ W3 + b3
    mu = jnp.mean(h, axis=-1, keepdims=True)
    var = jnp.var(h, axis=-1, keepdims=True)
    return (h - mu) / jnp.sqrt(var + 1e-5) * g + beta


def _scatter_mean(vals, idx, n):
    s = jax.ops.segment_sum(vals, idx, num_segments=n)
    c = jax.ops.segment_sum(jnp.ones((vals.shape[0],), vals.dtype), idx, num_segments=n)
    return s / jnp.maximum(c, 1.0)[:, None]


def setup_inputs(seed: int = 0) -> dict:
    key = jax.random.key(seed)
    ks = jax.random.split(key, 10)
    x = jax.random.normal(ks[0], (N, D), dtype=jnp.float32)
    mesh_edge_index = jax.random.randint(ks[1], (2, EM), 0, N, dtype=jnp.int32)
    mesh_edge_attr = jax.random.normal(ks[2], (EM, D), dtype=jnp.float32)
    world_edge_index = jax.random.randint(ks[3], (2, EW), 0, N, dtype=jnp.int32)
    world_edge_attr = jax.random.normal(ks[4], (EW, D), dtype=jnp.float32)
    # per-step, per-model (0=mesh_edge, 1=world_edge, 2=node) MLP params
    W1 = jax.random.normal(ks[5], (S, 3, 3 * D, D), dtype=jnp.float32) * 0.05
    b1 = jnp.zeros((S, 3, D), dtype=jnp.float32)
    W2 = jax.random.normal(ks[6], (S, 3, D, D), dtype=jnp.float32) * 0.05
    b2 = jnp.zeros((S, 3, D), dtype=jnp.float32)
    W3 = jax.random.normal(ks[7], (S, 3, D, D), dtype=jnp.float32) * 0.05
    b3 = jnp.zeros((S, 3, D), dtype=jnp.float32)
    g = jnp.ones((S, 3, D), dtype=jnp.float32)
    beta = jnp.zeros((S, 3, D), dtype=jnp.float32)
    return {"x": x, "mesh_edge_index": mesh_edge_index, "mesh_edge_attr": mesh_edge_attr,
            "world_edge_index": world_edge_index, "world_edge_attr": world_edge_attr,
            "W1": W1, "b1": b1, "W2": W2, "b2": b2, "W3": W3, "b3": b3, "g": g, "beta": beta}


def reference(x, mesh_edge_index, mesh_edge_attr, world_edge_index, world_edge_attr,
              W1, b1, W2, b2, W3, b3, g, beta):
    n = x.shape[0]
    steps = W1.shape[0]
    sm, rm = mesh_edge_index[0], mesh_edge_index[1]
    sw, rw = world_edge_index[0], world_edge_index[1]
    for si in range(steps):
        # EdgeModel: mesh edges
        xe = jnp.concatenate([x[sm], x[rm], mesh_edge_attr], axis=-1)
        mesh_edge_attr = mesh_edge_attr + _mlp(xe, W1[si, 0], b1[si, 0], W2[si, 0], b2[si, 0], W3[si, 0], b3[si, 0], g[si, 0], beta[si, 0])
        # EdgeModel: world edges
        xe = jnp.concatenate([x[sw], x[rw], world_edge_attr], axis=-1)
        world_edge_attr = world_edge_attr + _mlp(xe, W1[si, 1], b1[si, 1], W2[si, 1], b2[si, 1], W3[si, 1], b3[si, 1], g[si, 1], beta[si, 1])
        # NodeModel: scatter-mean aggregation of both edge sets
        agg_m = _scatter_mean(mesh_edge_attr, rm, n)
        agg_w = _scatter_mean(world_edge_attr, rw, n)
        xn = jnp.concatenate([x, agg_m, agg_w], axis=-1)
        x = x + _mlp(xn, W1[si, 2], b1[si, 2], W2[si, 2], b2[si, 2], W3[si, 2], b3[si, 2], g[si, 2], beta[si, 2])
    return (x, mesh_edge_attr, world_edge_attr)

if __name__ == "__main__":
    import jax
    _d = setup_inputs()
    print(jax.jit(kernel)(*tuple(_d.values())))

</pallas_src>

<mosaic_0001>
#map = affine_map<(d0, d1) -> (0, 0)>
module attributes {stable_mosaic.version = 14 : i64} {
  func.func @_counts_body(%arg0: i32, %arg1: i32, %arg2: memref<128x128xf32, #tpu.memory_space<hbm>>, %arg3: memref<1290x128xi32, #tpu.memory_space<hbm>>, %arg4: memref<625x128xf32, #tpu.memory_space<hbm>>, %arg5: memref<20000x128xf32, #tpu.memory_space<hbm>>, %arg6: memref<40x128xi32, #tpu.memory_space<vmem>>, %arg7: memref<128x128xf32, #tpu.memory_space<vmem>>, %arg8: memref<10000x128xf32, #tpu.memory_space<vmem_shared>>) attributes {dimension_semantics = [#tpu.dimension_semantics<core_parallel>, #tpu.dimension_semantics<subcore_parallel>], iteration_bounds = array<i64: 2, 16>, scalar_prefetch = 0 : i64, scratch_operands = 3 : i64, tpu.core_type = #tpu.core_type<sc_vector_subcore>, window_params = [{transform_indices = #map}, {transform_indices = #map}, {transform_indices = #map}, {transform_indices = #map}]} {
    %mul3A = arith.constant 2 : i32
    %mul3A_0 = arith.muli %arg1, %mul3A : i32
    %add3A = arith.addi %mul3A_0, %arg0 : i32
    %mul3A_1 = arith.constant 625 : i32
    %mul3A_2 = arith.muli %arg1, %mul3A_1 : i32
    "tpu.region"() ({
      %run_scoped3A = tpu.sem_alloc : memref<!tpu.dma_semaphore, #tpu.memory_space<semaphore_mem>>
      %dma_start3A = arith.constant 0 : i32
      %dma_start3A_67 = tpu.memref_slice %arg8[%mul3A_2, %dma_start3A] : memref<10000x128xf32, #tpu.memory_space<vmem_shared>> -> memref<625x128xf32, #tpu.memory_space<vmem_shared>>
      tpu.enqueue_dma source(%arg4 : memref<625x128xf32, #tpu.memory_space<hbm>>) target(%dma_start3A_67 : memref<625x128xf32, #tpu.memory_space<vmem_shared>>) target_semaphore(%run_scoped3A : memref<!tpu.dma_semaphore, #tpu.memory_space<semaphore_mem>>)
      %dma_wait3A = arith.constant 0 : i32
      %dma_wait3A_68 = tpu.memref_slice %arg8[%mul3A_2, %dma_wait3A] : memref<10000x128xf32, #tpu.memory_space<vmem_shared>> -> memref<625x128xf32, #tpu.memory_space<vmem_shared>>
      tpu.wait_dma2 semaphore(%run_scoped3A : memref<!tpu.dma_semaphore, #tpu.memory_space<semaphore_mem>>) src(%arg4 : memref<625x128xf32, #tpu.memory_space<hbm>>) dst(%dma_wait3A_68 : memref<625x128xf32, #tpu.memory_space<vmem_shared>>)
      tpu.yield
    }) : () -> ()
    "tpu.region"() ({
      %run_scoped3A = tpu.sem_alloc : memref<!tpu.dma_semaphore, #tpu.memory_space<semaphore_mem>>
      tpu.enqueue_dma source(%arg2 : memref<128x128xf32, #tpu.memory_space<hbm>>) target(%arg7 : memref<128x128xf32, #tpu.memory_space<vmem>>) target_semaphore(%run_scoped3A : memref<!tpu.dma_semaphore, #tpu.memory_space<semaphore_mem>>)
      tpu.wait_dma2 semaphore(%run_scoped3A : memref<!tpu.dma_semaphore, #tpu.memory_space<semaphore_mem>>) src(%arg2 : memref<128x128xf32, #tpu.memory_space<hbm>>) dst(%arg7 : memref<128x128xf32, #tpu.memory_space<vmem>>)
      tpu.yield
    }) : () -> ()
    %barrier3A = arith.constant 0 : index
    tpu.barrier barrier_id(%barrier3A)
    %mul3A_3 = arith.constant 1250 : i32
    %mul3A_4 = arith.muli %add3A, %mul3A_3 : i32
    %jit3A = arith.constant 32 : i32
    %div3A = arith.divsi %mul3A_4, %jit3A : i32
    %sign3A = arith.constant 0 : i32
    %sign3A_5 = arith.cmpi sgt, %mul3A_4, %sign3A : i32
    %sign3A_6 = arith.extui %sign3A_5 : i1 to i32
    %sign3A_7 = arith.constant 0 : i32
    %sign3A_8 = arith.cmpi slt, %mul3A_4, %sign3A_7 : i32
    %sign3A_9 = arith.extui %sign3A_8 : i1 to i32
    %sign3A_10 = arith.subi %sign3A_6, %sign3A_9 : i32
    %sign3A_11 = arith.constant 0 : i32
    %sign3A_12 = arith.cmpi sgt, %jit3A, %sign3A_11 : i32
    %sign3A_13 = arith.extui %sign3A_12 : i1 to i32
    %sign3A_14 = arith.constant 0 : i32
    %sign3A_15 = arith.cmpi slt, %jit3A, %sign3A_14 : i32
    %sign3A_16 = arith.extui %sign3A_15 : i1 to i32
    %sign3A_17 = arith.subi %sign3A_13, %sign3A_16 : i32
    %ne3A = arith.cmpi ne, %sign3A_10, %sign3A_17 : i32
    %rem3A = arith.remsi %mul3A_4, %jit3A : i32
    %ne3A_18 = arith.constant 0 : i32
    %ne3A_19 = arith.cmpi ne, %rem3A, %ne3A_18 : i32
    %and3A = arith.andi %ne3A, %ne3A_19 : i1
    %sub3A = arith.constant 1 : i32
    %sub3A_20 = arith.subi %div3A, %sub3A : i32
    %select_n3A = arith.select %and3A, %sub3A_20, %div3A : i32
    %add3A_21 = arith.constant 1 : i32
    %add3A_22 = arith.addi %add3A, %add3A_21 : i32
    %mul3A_23 = arith.constant 1250 : i32
    %mul3A_24 = arith.muli %add3A_22, %mul3A_23 : i32
    %jit3A_25 = arith.constant 32 : i32
    %div3A_26 = arith.divsi %mul3A_24, %jit3A_25 : i32
    %sign3A_27 = arith.constant 0 : i32
    %sign3A_28 = arith.cmpi sgt, %mul3A_24, %sign3A_27 : i32
    %sign3A_29 = arith.extui %sign3A_28 : i1 to i32
    %sign3A_30 = arith.constant 0 : i32
    %sign3A_31 = arith.cmpi slt, %mul3A_24, %sign3A_30 : i32
    %sign3A_32 = arith.extui %sign3A_31 : i1 to i32
    %sign3A_33 = arith.subi %sign3A_29, %sign3A_32 : i32
    %sign3A_34 = arith.constant 0 : i32
    %sign3A_35 = arith.cmpi sgt, %jit3A_25, %sign3A_34 : i32
    %sign3A_36 = arith.extui %sign3A_35 : i1 to i32
    %sign3A_37 = arith.constant 0 : i32
    %sign3A_38 = arith.cmpi slt, %jit3A_25, %sign3A_37 : i32
    %sign3A_39 = arith.extui %sign3A_38 : i1 to i32
    %sign3A_40 = arith.subi %sign3A_36, %sign3A_39 : i32
    %ne3A_41 = arith.cmpi ne, %sign3A_33, %sign3A_40 : i32
    %rem3A_42 = arith.remsi %mul3A_24, %jit3A_25 : i32
    %ne3A_43 = arith.constant 0 : i32
    %ne3A_44 = arith.cmpi ne, %rem3A_42, %ne3A_43 : i32
    %and3A_45 = arith.andi %ne3A_41, %ne3A_44 : i1
    %sub3A_46 = arith.constant 1 : i32
    %sub3A_47 = arith.subi %div3A_26, %sub3A_46 : i32
    %select_n3A_48 = arith.select %and3A_45, %sub3A_47, %div3A_26 : i32
    %sub3A_49 = arith.subi %select_n3A_48, %select_n3A : i32
    "tpu.region"() ({
      %run_scoped3A = tpu.sem_alloc : memref<!tpu.dma_semaphore, #tpu.memory_space<semaphore_mem>>
      %dma_start3A = arith.constant 0 : i32
      %dma_start3A_67 = tpu.memref_slice %arg3[%select_n3A, %dma_start3A] : memref<1290x128xi32, #tpu.memory_space<hbm>> -> memref<40x128xi32, #tpu.memory_space<hbm>>
      %dma_start3A_68 = arith.constant 0 : i32
      %dma_start3A_69 = tpu.memref_slice %arg3[%select_n3A, %dma_start3A_68] : memref<1290x128xi32, #tpu.memory_space<hbm>> -> memref<40x128xi32, #tpu.memory_space<hbm>>
      tpu.enqueue_dma source(%dma_start3A_69 : memref<40x128xi32, #tpu.memory_space<hbm>>) target(%arg6 : memref<40x128xi32, #tpu.memory_space<vmem>>) target_semaphore(%run_scoped3A : memref<!tpu.dma_semaphore, #tpu.memory_space<semaphore_mem>>)
      %dma_wait3A = arith.constant 0 : i32
      %dma_wait3A_70 = tpu.memref_slice %arg3[%select_n3A, %dma_wait3A] : memref<1290x128xi32, #tpu.memory_space<hbm>> -> memref<40x128xi32, #tpu.memory_space<hbm>>
      %dma_wait3A_71 = arith.constant 0 : i32
      %dma_wait3A_72 = tpu.memref_slice %arg3[%select_n3A, %dma_wait3A_71] : memref<1290x128xi32, #tpu.memory_space<hbm>> -> memref<40x128xi32, #tpu.memory_space<hbm>>
      tpu.wait_dma2 semaphore(%run_scoped3A : memref<!tpu.dma_semaphore, #tpu.memory_space<semaphore_mem>>) src(%dma_wait3A_72 : memref<40x128xi32, #tpu.memory_space<hbm>>) dst(%arg6 : memref<40x128xi32, #tpu.memory_space<vmem>>)
      tpu.yield
    }) : () -> ()
    %while3A = arith.constant 0 : i32
    %while3A_50 = arith.constant 0 : i32
    %while3A_51 = arith.subi %sub3A_49, %while3A_50 : i32
    %while3A_52 = arith.addi %while3A_50, %while3A_51 : i32
    %while3A_53 = arith.constant 1 : i32
    %while3A_54 = arith.divsi %while3A_51, %while3A_53 : i32
    %while3A_55 = arith.muli %while3A_54, %while3A_53 : i32
    %while3A_56 = arith.addi %while3A_50, %while3A_55 : i32
    %while3A_57 = arith.constant 1 : i32
    scf.for %while3A_67 = %while3A_50 to %while3A_56 step %while3A_57  : i32 {
      "tpu.region"() ({
        %run_scoped3A = tpu.sem_alloc : memref<!tpu.dma_semaphore, #tpu.memory_space<semaphore_mem>>
        %dma_start3A = arith.constant 0 : i32
        %dma_start3A_68 = tpu.memref_slice %arg6[%while3A_67, %dma_start3A] : memref<40x128xi32, #tpu.memory_space<vmem>> -> memref<1x128xi32, #tpu.memory_space<vmem>>
        %dma_start3A_69 = tpu.memref_squeeze %dma_start3A_68 : memref<1x128xi32, #tpu.memory_space<vmem>> -> memref<128xi32, #tpu.memory_space<vmem>>
        %dma_start3A_70 = arith.constant 0 : i32
        %dma_start3A_71 = arith.constant 0 : i32
        %dma_start3A_72 = tpu.memref_slice %arg8[%dma_start3A_70, %dma_start3A_71] : memref<10000x128xf32, #tpu.memory_space<vmem_shared>> -> memref<10000x128xf32, #tpu.memory_space<vmem_shared>>
        tpu.enqueue_indirect_dma source(%arg7 : memref<128x128xf32, #tpu.memory_space<vmem>>) target(%dma_start3A_72 : memref<10000x128xf32, #tpu.memory_space<vmem_shared>>) offsets(%dma_start3A_69 : memref<128xi32, #tpu.memory_space<vmem>>) semaphore(%run_scoped3A : memref<!tpu.dma_semaphore, #tpu.memory_space<semaphore_mem>>) {add = true}
        %dma_wait3A = arith.constant 0 : i32
        %dma_wait3A_73 = tpu.memref_slice %arg6[%while3A_67, %dma_wait3A] : memref<40x128xi32, #tpu.memory_space<vmem>> -> memref<1x128xi32, #tpu.memory_space<vmem>>
        %dma_wait3A_74 = tpu.memref_squeeze %dma_wait3A_73 : memref<1x128xi32, #tpu.memory_space<vmem>> -> memref<128xi32, #tpu.memory_space<vmem>>
        %dma_wait3A_75 = arith.constant 0 : i32
        %dma_wait3A_76 = arith.constant 0 : i32
        %dma_wait3A_77 = tpu.memref_slice %arg8[%dma_wait3A_75, %dma_wait3A_76] : memref<10000x128xf32, #tpu.memory_space<vmem_shared>> -> memref<10000x128xf32, #tpu.memory_space<vmem_shared>>
        tpu.wait_indirect_dma semaphore(%run_scoped3A : memref<!tpu.dma_semaphore, #tpu.memory_space<semaphore_mem>>) src(%arg7 : memref<128x128xf32, #tpu.memory_space<vmem>>) dst(%dma_wait3A_77 : memref<10000x128xf32, #tpu.memory_space<vmem_shared>>)
        tpu.yield
      }) : () -> ()
    }
    %while3A_58 = arith.constant 1 : i32
    scf.for %while3A_67 = %while3A_56 to %while3A_52 step %while3A_58  : i32 {
      "tpu.region"() ({
        %run_scoped3A = tpu.sem_alloc : memref<!tpu.dma_semaphore, #tpu.memory_space<semaphore_mem>>
        %dma_start3A = arith.constant 0 : i32
        %dma_start3A_68 = tpu.memref_slice %arg6[%while3A_67, %dma_start3A] : memref<40x128xi32, #tpu.memory_space<vmem>> -> memref<1x128xi32, #tpu.memory_space<vmem>>
        %dma_start3A_69 = tpu.memref_squeeze %dma_start3A_68 : memref<1x128xi32, #tpu.memory_space<vmem>> -> memref<128xi32, #tpu.memory_space<vmem>>
        %dma_start3A_70 = arith.constant 0 : i32
        %dma_start3A_71 = arith.constant 0 : i32
        %dma_start3A_72 = tpu.memref_slice %arg8[%dma_start3A_70, %dma_start3A_71] : memref<10000x128xf32, #tpu.memory_space<vmem_shared>> -> memref<10000x128xf32, #tpu.memory_space<vmem_shared>>
        tpu.enqueue_indirect_dma source(%arg7 : memref<128x128xf32, #tpu.memory_space<vmem>>) target(%dma_start3A_72 : memref<10000x128xf32, #tpu.memory_space<vmem_shared>>) offsets(%dma_start3A_69 : memref<128xi32, #tpu.memory_space<vmem>>) semaphore(%run_scoped3A : memref<!tpu.dma_semaphore, #tpu.memory_space<semaphore_mem>>) {add = true}
        %dma_wait3A = arith.constant 0 : i32
        %dma_wait3A_73 = tpu.memref_slice %arg6[%while3A_67, %dma_wait3A] : memref<40x128xi32, #tpu.memory_space<vmem>> -> memref<1x128xi32, #tpu.memory_space<vmem>>
        %dma_wait3A_74 = tpu.memref_squeeze %dma_wait3A_73 : memref<1x128xi32, #tpu.memory_space<vmem>> -> memref<128xi32, #tpu.memory_space<vmem>>
        %dma_wait3A_75 = arith.constant 0 : i32
        %dma_wait3A_76 = arith.constant 0 : i32
        %dma_wait3A_77 = tpu.memref_slice %arg8[%dma_wait3A_75, %dma_wait3A_76] : memref<10000x128xf32, #tpu.memory_space<vmem_shared>> -> memref<10000x128xf32, #tpu.memory_space<vmem_shared>>
        tpu.wait_indirect_dma semaphore(%run_scoped3A : memref<!tpu.dma_semaphore, #tpu.memory_space<semaphore_mem>>) src(%arg7 : memref<128x128xf32, #tpu.memory_space<vmem>>) dst(%dma_wait3A_77 : memref<10000x128xf32, #tpu.memory_space<vmem_shared>>)
        tpu.yield
      }) : () -> ()
    }
    %barrier3A_59 = arith.constant 0 : index
    tpu.barrier barrier_id(%barrier3A_59)
    %mul3A_60 = arith.constant 625 : i32
    %mul3A_61 = arith.muli %arg1, %mul3A_60 : i32
    %mul3A_62 = arith.constant 10000 : i32
    %mul3A_63 = arith.muli %arg0, %mul3A_62 : i32
    %mul3A_64 = arith.constant 625 : i32
    %mul3A_65 = arith.muli %arg1, %mul3A_64 : i32
    %add3A_66 = arith.addi %mul3A_63, %mul3A_65 : i32
    "tpu.region"() ({
      %run_scoped3A = tpu.sem_alloc : memref<!tpu.dma_semaphore, #tpu.memory_space<semaphore_mem>>
      %dma_start3A = arith.constant 0 : i32
      %dma_start3A_67 = tpu.memref_slice %arg5[%add3A_66, %dma_start3A] : memref<20000x128xf32, #tpu.memory_space<hbm>> -> memref<625x128xf32, #tpu.memory_space<hbm>>
      %dma_start3A_68 = arith.constant 0 : i32
      %dma_start3A_69 = tpu.memref_slice %arg8[%mul3A_61, %dma_start3A_68] : memref<10000x128xf32, #tpu.memory_space<vmem_shared>> -> memref<625x128xf32, #tpu.memory_space<vmem_shared>>
      tpu.enqueue_dma source(%dma_start3A_69 : memref<625x128xf32, #tpu.memory_space<vmem_shared>>) target(%dma_start3A_67 : memref<625x128xf32, #tpu.memory_space<hbm>>) target_semaphore(%run_scoped3A : memref<!tpu.dma_semaphore, #tpu.memory_space<semaphore_mem>>)
      %dma_wait3A = arith.constant 0 : i32
      %dma_wait3A_70 = tpu.memref_slice %arg5[%add3A_66, %dma_wait3A] : memref<20000x128xf32, #tpu.memory_space<hbm>> -> memref<625x128xf32, #tpu.memory_space<hbm>>
      %dma_wait3A_71 = arith.constant 0 : i32
      %dma_wait3A_72 = tpu.memref_slice %arg8[%mul3A_61, %dma_wait3A_71] : memref<10000x128xf32, #tpu.memory_space<vmem_shared>> -> memref<625x128xf32, #tpu.memory_space<vmem_shared>>
      tpu.wait_dma2 semaphore(%run_scoped3A : memref<!tpu.dma_semaphore, #tpu.memory_space<semaphore_mem>>) src(%dma_wait3A_72 : memref<625x128xf32, #tpu.memory_space<vmem_shared>>) dst(%dma_wait3A_70 : memref<625x128xf32, #tpu.memory_space<hbm>>)
      tpu.yield
    }) : () -> ()
    return
  }
}

</mosaic_0001>

<sc_bundles>
// kernel: run.3.cloned.1.call-start
scs
__scs_entry_jumppad:
0x0: {  	(pc) =	sbr.rel $0x88, $3  }
0x1: {  	(tag) =	ssettag $0x0;
	lr =	simm.s32 $0x1  }
0x2: {  	[smem:$0x3F9E] =	sst lr;
	_ =	strace $0xD0000000  }
0x3: {  	_ = 	snop  }
0x4: {  	_ = 	snop  }
0x5: {  	_ = 	snop  }
0x6: {  	_ = 	snop  }
0x7: {  	_ = 	snop  }
__scs_overlays_trampoline_lowered:
0x8: {  	[smem:$0x3FAD] =	sst s0  }
0x9: {  	[smem:$0x3FAE] =	sst s1  }
0xa: {  	[smem:$0x3FAF] =	sst s2  }
0xb: {  	[smem:$0x3FB0] =	sst s3  }
0xc: {  	[smem:$0x3FB1] =	sst s4  }
0xd: {  	[smem:$0x3FB2] =	sst s5  }
0xe: {  	[smem:$0x3FB3] =	sst s6  }
0xf: {  	[smem:$0x3FB4] =	sst s7  }
0x10: {  	[smem:$0x3FB5] =	sst s8  }
0x11: {  	[smem:$0x3FB6] =	sst s9;
	s0 =	simm.s32 @!p0 $0x0  }
0x12: {  	s1 =	sld [smem:$0x3F9C];
	s0 =	simm.s32 @p0 $0x1  }
0x13: {  	[smem:$0x3FB7] =	sst s0;
	s0 =	simm.s32 @!p1 $0x0  }
0x14: {  	s2 =	sld [smem:$0x3F9B];
	s0 =	simm.s32 @p1 $0x1  }
0x15: {  	[smem:$0x3FB8] =	sst s0;
	s0 =	simm.s32 @!p2 $0x0  }
0x16: {  	s3 =	sld [smem:$0x3FDB];
	s0 =	simm.s32 @p2 $0x1  }
0x17: {  	s4 =	simm.s32 $0x1BF5;
	[smem:$0x3FBA] =	sst s0  }
0x18: {  	s0 =	sld [smem:$0x3F9D];
	_ =	swait.ge [sflag:s4], $0x0  }
0x19: {  	s7 =	sld [smem:$0x3F9E]  }
0x1a: {  	s8 =	sadd.s32 $0xFFFFE003, lr  }
0x1b: {  	s9 =	sadd.s32 $0xFFFFFEF7, lr;
	s5 =	simm.s32 $0xFFFFFFFF;
	p2 =	slt.u32 s8, $0xFFFFF086  }
0x1c: {  	p1 =	slt.u32 s9, $0xF7A;
	s5 =	simm.s32 @!p2 $0x0  }
0x1d: {  	s5 =	simm.s32 @p1 $0x1;
	p0 =	seq.s32 s7, s2  }
0x1e: {  	s7 =	smul.u32 @!p0 $0xF7A, s2;
	p2 =	seq.s32 @!p0 s5, $0x0  }
0x1f: {  	s9 =	smul.u32 $0xF7A, s1;
	s8 =	simm.s32 @!p0 $0x1BF5;
	p2 =	por !p2, p0  }
0x20: {  	[sflag:s8] =	ssyncset.s32 @!p0 $0xFFFFF086;
	s6 =	sadd.s32 @!p0 s3, s7;
	s7 =	simm.s32 @!p0 $0x108  }
0x21: {  	s3 =	sadd.s32 s3, s9;
	s6 =	sadd.s32 @!p0 $0x88, s6;
	s7 =	simm.s32 @p2 $0x1082  }
0x22: {  	[simem:s7], [sflag:s8] =	dma.local @!p0 [hbm:s6], $0xF7A  }
0x23: {  	s9 =	sor.u32 $0xD0000000, s2;
	s6 =	simm.s32 $0x108;
	_ =	swait.ge @!p0 [sflag:s8], $0x0  }
0x24: {  	s3 =	sadd.s32 $0x88, s3;
	s6 =	simm.s32 @!p1 $0x1082;
	[sflag:s4] =	ssyncset.s32 $0xFFFFF086  }
0x25: {  	[simem:s6], [sflag:s4] =	dma.local [hbm:s3], $0xF7A  }
0x26: {  	[smem:$0x3F9E] =	sst s1;
	(tag) =	ssettag s2;
	_ =	strace s9  }
0x27: {  	s1 =	sld [smem:$0x3FAE]  }
0x28: {  	s2 =	sld [smem:$0x3FAF]  }
0x29: {  	s4 =	sld [smem:$0x3FB1]  }
0x2a: {  	p0 =	seq.s32 s5, $0x0;
	s5 =	sld [smem:$0x3FB2]  }
0x2b: {  	s6 =	sld [smem:$0x3FB3]  }
0x2c: {  	s7 =	sld [smem:$0x3FB4]  }
0x2d: {  	s3 =	simm.s32 $0x108;
	s8 =	sld [smem:$0x3FB5]  }
0x2e: {  	s3 =	simm.s32 @!p0 $0x1082;
	s9 =	sld [smem:$0x3FB6]  }
0x2f: {  	lr =	sadd.s32 s0, s3;
	s0 =	sld [smem:$0x3FAD]  }
0x30: {  	s3 =	sld [smem:$0x3FB0]  }
0x31: {  	[smem:$0x3FB9] =	sst s10  }
0x32: {  	s10 =	sld [smem:$0x3FB7];
	_ =	sdelay $0x3  }
0x33: {  	p0 =	seq.s32 s10, $0x1;
	s10 =	sld [smem:$0x3FB9];
	_ =	sdelay $0x3  }
0x34: {  	[smem:$0x3FB9] =	sst s10  }
0x35: {  	s10 =	sld [smem:$0x3FB8];
	_ =	sdelay $0x3  }
0x36: {  	p1 =	seq.s32 s10, $0x1;
	s10 =	sld [smem:$0x3FB9];
	_ =	sdelay $0x3  }
0x37: {  	[smem:$0x3FB9] =	sst s10  }
0x38: {  	s10 =	sld [smem:$0x3FBA]  }
0x39: {  	_ = 	snop;
	(pc) =	sbr.ind lr, $3  }
0x3a: {  	_ = 	snop  }
0x3b: {  	_ = 	snop  }
0x3c: {  	p2 =	seq.s32 s10, $0x1;
	s10 =	sld [smem:$0x3FB9]  }
0x3d: {  	_ =	shalt  }
0x3e: {  	_ =	shalt  }
0x3f: {  	_ =	shalt  }
0x40: {  	_ =	shalt  }
0x41: {  	_ =	shalt  }
0x42: {  	_ =	shalt  }
0x43: {  	_ =	shalt  }
0x44: {  	_ =	shalt  }
0x45: {  	_ =	shalt  }
0x46: {  	_ =	shalt  }
0x47: {  	_ =	shalt  }
0x48: {  	_ =	shalt  }
0x49: {  	_ =	shalt  }
0x4a: {  	_ =	shalt  }
0x4b: {  	_ =	shalt  }
0x4c: {  	_ =	shalt  }
0x4d: {  	_ =	shalt  }
0x4e: {  	_ =	shalt  }
0x4f: {  	_ =	shalt  }
0x50: {  	_ =	shalt  }
0x51: {  	_ =	shalt  }
0x52: {  	_ =	shalt  }
0x53: {  	_ =	shalt  }
0x54: {  	_ =	shalt  }
0x55: {  	_ =	shalt  }
0x56: {  	_ =	shalt  }
0x57: {  	_ =	shalt  }
0x58: {  	_ =	shalt  }
0x59: {  	_ =	shalt  }
0x5a: {  	_ =	shalt  }
0x5b: {  	_ =	shalt  }
0x5c: {  	_ =	shalt  }
0x5d: {  	_ =	shalt  }
0x5e: {  	_ =	shalt  }
0x5f: {  	_ =	shalt  }
0x60: {  	_ =	shalt  }
0x61: {  	_ =	shalt  }
0x62: {  	_ =	shalt  }
0x63: {  	_ =	shalt  }
0x64: {  	_ =	shalt  }
0x65: {  	_ =	shalt  }
0x66: {  	_ =	shalt  }
0x67: {  	_ =	shalt  }
0x68: {  	_ =	shalt  }
0x69: {  	_ =	shalt  }
0x6a: {  	_ =	shalt  }
0x6b: {  	_ =	shalt  }
0x6c: {  	_ =	shalt  }
0x6d: {  	_ =	shalt  }
0x6e: {  	_ =	shalt  }
0x6f: {  	_ =	shalt  }
0x70: {  	_ =	shalt  }
0x71: {  	_ =	shalt  }
0x72: {  	_ =	shalt  }
0x73: {  	_ =	shalt  }
0x74: {  	_ =	shalt  }
0x75: {  	_ =	shalt  }
0x76: {  	_ =	shalt  }
0x77: {  	_ =	shalt  }
0x78: {  	_ =	shalt  }
0x79: {  	_ =	shalt  }
0x7a: {  	_ =	shalt  }
0x7b: {  	_ =	shalt  }
0x7c: {  	_ =	shalt  }
0x7d: {  	_ =	shalt  }
0x7e: {  	_ =	shalt  }
0x7f: {  	_ =	shalt  }
0x80: {  	_ =	shalt  }
0x81: {  	_ =	shalt  }
0x82: {  	_ =	shalt  }
0x83: {  	_ =	shalt  }
0x84: {  	_ =	shalt  }
0x85: {  	_ =	shalt  }
0x86: {  	_ =	shalt  }
0x87: {  	_ =	shalt  }
.Lfunc_end0:
.L_simem_size_0:
called_computation_lowered:
.L_overlay_start_0:
0x88: {  	s2 =	sld [smem:$0x3FD9]  }
0x89: {  	s3 =	sld [smem:$0x3FFE];
	_ =	sdelay $0x1  }
0x8a: {  	s1 =	srdreg.scid  }
0x8b: {  	s0 =	sand.u32 $0x1, s1  }
0x8c: {  	s18 =	sshll.u32 s0, $0xA;
	s2 =	sadd.s32 s3, s2  }
0x8d: {  	s2 =	sadd.s32 s2, s18  }
0x8e: {  	[smem:$0x3FC5] =	sst s2  }
0x8f: {  	_ = 	snop  }
0x90: {  	s2 =	sld [smem:$0x3FC9]  }
0x91: {  	s19 =	sld [smem:$0x3FC8]  }
0x92: {  	s4 =	sld [smem:$0x3FC7]  }
0x93: {  	s5 =	sld [smem:$0x3FD0];
	(tm) =	ssettm $0x1  }
0x94: {  	s6 =	sld [smem:$0x3FFB];
	_ =	sdelay $0x3  }
0x95: {  	_ =	strace s6  }
0x96: {  	s6 =	sld [smem:$0x3FFC];
	_ =	sdelay $0x3  }
0x97: {  	_ =	strace s6  }
0x98: {  	s6 =	sld [smem:$0x3FFD];
	_ =	sdelay $0x3  }
0x99: {  	_ =	strace s6  }
0x9a: {  	_ =	strace $0x8FFFFFFF  }
0x9b: {  	s20 =	sld [smem:$0x3FDB];
	_ =	sdelay $0x1  }
0x9c: {  	s7 =	simm.s32 $_scs_section_size  }
0x9d: {  	s8 =	simm.s32 $_size__tile_overlayer_lowered;
	s9 =	simm.s32 $_tile_overlayer_lowered  }
0x9e: {  	s23 =	simm.s32 $0x1BFF;
	s22 =	sshll.u32 s9, $0x1;
	s6 =	sadd.s32 s7, s20  }
0x9f: {  	s10 =	simm.s32 $0x0;
	s21 =	sshll.u32 s8, $0x1;
	s8 =	sadd.s32 s22, s6  }
0xa0: {  	[timem:s10], [sflag:s23] =	dma.local [hbm:s8], s21  }
0xa1: {  	_ =	swait.ge [sflag:s23], s21  }
0xa2: {  	s7 =	ssub.s32 $0x0, s21;
	[sflag:s23] =	ssyncset.done $0x0  }
0xa3: {  	[sflag:s23] =	ssyncadd.s32 s7;
	_ =	sdelay $0x1  }
0xa4: {  	s24 =	simm.s32 $0x1B8B  }
0xa5: {  	_ =	swait.ge [sflag:s24], $0x1  }
0xa6: {  	[sflag:s24] =	ssyncset.done $0x0  }
0xa7: {  	s25 =	simm.s32 $0x1B8E;
	[sflag:s24] =	ssyncadd.s32 $0xFFFFFFFF  }
0xa8: {  	s26 =	simm.s32 $execute0_lowered;
	[smem:$0x3FD2] =	sst s25  }
0xa9: {  	s7 =	sshll.u32 s26, $0x1;
	_ =	strace $0x80000046;
	[dreg:$0x1] =	wrdreg $0xFFFFFFFF  }
0xaa: {  	s28 =	simm.s32 $_size_execute0_lowered;
	s6 =	sadd.s32 s6, s7;
	[dreg:$0x0] =	wrdreg $0x0  }
0xab: {  	s7 =	sshll.u32 s28, $0x1;
	[dreg:$0x2] =	wrdreg s6  }
0xac: {  	[dreg:$0x3] =	wrdreg s7  }
0xad: {  	[dreg:$0x4] =	wrdreg $0xC0  }
0xae: {  	_ =	task [dreg:s10], $0x5FFFF  }
0xaf: {  	[dreg:$0x1] =	wrdreg $0xFFFFFFFF  }
0xb0: {  	[dreg:$0x0] =	wrdreg $0x60  }
0xb1: {  	[dreg:$0x2] =	wrdreg s2  }
0xb2: {  	[dreg:$0x3] =	wrdreg s19  }
0xb3: {  	[dreg:$0x4] =	wrdreg s4  }
0xb4: {  	[dreg:$0x5] =	wrdreg s5  }
0xb5: {  	[dreg:$0x6] =	wrdreg $0x54000  }
0xb6: {  	[dreg:$0x7] =	wrdreg $0x9  }
0xb7: {  	_ =	task.clear_ibuf [dreg:s10], $0x8FFFF;
	_ =	strace $0x90000046  }
0xb8: {  	s29 =	simm.s32 $0x9;
	_ =	strace $0x80000048  }
0xb9: {  	_ =	swait.ge [sflag:s29], $0x1  }
0xba: {  	[sflag:s29] =	ssyncadd.s32 $0xFFFFFFFF  }
0xbb: {  	_ =	strace $0x90000048  }
0xbc: {  	_ =	sfence  }
0xbd: {  	s30 =	sld [smem:$0x0];
	_ =	sdelay $0x2  }
0xbe: {  	s31 =	sshll.u32 s1, $0xD;
	s1 =	sshrl.u32 s1, $0x2  }
0xbf: {  	s3 =	sand.u32 $0x4000, s31;
	s1 =	sadd.s32 s1, s30  }
0xc0: {  	s0 =	sor.u32 s3, s0;
	s1 =	sshll.u32 s1, $0x11  }
0xc1: {  	s0 =	sor.u32 s1, s0  }
0xc2: {  	s0 =	sadd.s32 $0x8F2B, s0  }
0xc3: {  	[sflag:s0] =	ssyncadd.remote.s32 $0x1  }
0xc4: {  	_ =	sfence.sel $0xFFFF  }
0xc5: {  	[dreg:$0x0] =	wrdreg $0xFFFFFFFF;
	(pc) =	sbr.abs _section_cstart, $3  }
0xc6: {  	[dreg:$0x1] =	wrdreg $0xFFFFFFFF  }
0xc7: {  	_ =	task.clear_ibuf [dreg:s10], $0x2FFFF;
	_ =	strace $0x9FFFFFFF  }
0xc8: {  	(tm) =	ssettm $0x7FFFFFFF  }
0xc9: {  	_ =	shalt  }
tec
execute0_lowered:
.L_overlay_start_1:
0x0: {  	(tag) =	ssettag $0x1  }
0x1: {  	s1 =	rddreg [dreg:$0x0]  }
0x2: {  	s8 =	rddreg [dreg:$0x1]  }
0x3: {  	s2 =	rddreg [dreg:$0x2]  }
0x4: {  	s9 =	rddreg [dreg:$0x3]  }
0x5: {  	s3 =	rddreg [dreg:$0x4]  }
0x6: {  	s0 =	rddreg [dreg:$0x5]  }
0x7: {  	s5 =	simm.s32 $0x0;
	s6 =	srdreg.scid;
	s4 =	stileid.u32  }
0x8: {  	[smem:$0x7FF] =	sst s5;
	s7 =	sand.u32 $0x1, s6;
	s11 =	smul.u32 $0x4E200, s4  }
0x9: {  	s10 =	sshll.u32 s4, $0x1;
	s29 =	smul.u32 $0x2710, s4;
	s30 =	sshll.u32 s4, $0x6  }
0xa: {  	s6 =	ssub.s32 $0x2, s7;
	_ =	strace $0x80000047;
	s10 =	sor.u32 s7, s10  }
0xb: {  	s15 =	smul.u32 $0x27100, s7;
	s12 =	sshrl.u32 s6, $0x1;
	s28 =	sshrl.u32 s11, $0x2  }
0xc: {  	s10 =	smul.u32 $0x4E2, s10;
	s12 =	ssub.s32 s6, s12;
	s13 =	sadd.s32 s28, s3  }
0xd: {  	s6 =	sor.u32 $0x1C01, s30;
	s11 =	sadd.s32 s29, s15;
	s15 =	simm.s32 $0x0  }
.Ltmp0:
0xe: {  	s14 =	sadd.s32 $0x4E2, s10;
	s31 =	sshrl.u32 s10, $0x5;
	(pc) =	sbr.rel .LBB2_1-.Ltmp0, $4  }
0xf: {  	s10 =	sshrl.u32 s10, $0x1;
	s9 =	sadd.s32 s9, s11;
	s11 =	sshrl.u32 s13, $0x3  }
0x10: {  	s13 =	simm.s32 $0x1400;
	s14 =	sshrl.u32 s14, $0x5;
	s10 =	sand.u32 $0x7FF0, s10  }
0x11: {  	s7 =	ssub.s32 s14, s31;
	s8 =	sadd.s32 s8, s10;
	s10 =	smax.u32 s12, $0x1  }
0x12: {  	s12 =	simm.s32 $0x1;
	s14 =	simm.s32 $0x80;
	p0 =	slt.s32 s7, $0x1  }
.LBB2_4:
0x13: {  	[sflag:s12] =	ssyncadd.s32 $0xFFFFC000  }
.LBB2_5:
0x14: {  	s15 =	sadd.s32 $0x1, s15  }
0x15: {  	p1 =	sne.s32 s15, s10  }
.Ltmp1:
0x16: {  	[bflag:$0x0] =	sbarrier.arrive $0xFFFF;
	(pc) =	sbr.rel @!p1 .LBB2_6-.Ltmp1, $4  }
0x17: {  	[hbm:s9], [sflag:s6] =	dma.local [spmem:s11], $0x2710  }
0x18: {  	_ =	swait.ge [sflag:s12], $0x2710  }
0x19: {  	[sflag:s12] =	ssyncset.done $0x0  }
0x1a: {  	[sflag:s12] =	ssyncadd.s32 $0xFFFFD8F0  }
.LBB2_1:
0x1b: {  	[spmem:s11], [sflag:s6] =	dma.local [hbm:s2], $0x2710  }
0x1c: {  	_ =	swait.ge [sflag:s12], $0x2710  }
0x1d: {  	[sflag:s12] =	ssyncset.done $0x0  }
0x1e: {  	[sflag:s12] =	ssyncadd.s32 $0xFFFFD8F0  }
0x1f: {  	[tilespmem:s13], [sflag:$0x1] =	stream.linear.gather [hbm4b:s1+s5], $0x4000, $0x38;
	[tilespmem:$0x18C80] =	vst v63  }
0x20: {  	_ =	swait.ge [sflag:s12], $0x4000  }
0x21: {  	[sflag:s12] =	ssyncset.done $0x0  }
0x22: {  	[sflag:s12] =	ssyncadd.s32 $0xFFFFC000  }
.Ltmp2:
0x23: {  	[bflag:$0x0] =	sbarrier.arrive $0xFFFF;
	(pc) =	sbr.rel @p0 .LBB2_5-.Ltmp2, $4  }
0x24: {  	[tilespmem:s5], [sflag:$0x1] =	stream.linear.gather [hbm4b:s8+s5], $0x1400, $0x38;
	[tilespmem:$0x18C80] =	vst v63  }
0x25: {  	_ =	swait.ge [sflag:s12], $0x1400  }
0x26: {  	[sflag:s12] =	ssyncset.done $0x0  }
0x27: {  	[sflag:s12] =	ssyncadd.s32 $0xFFFFEC00  }
0x28: {  	s16 =	sadd.s32 $0x1, s5  }
0x29: {  	p1 =	slt.s32 s16, s7  }
.Ltmp3:
0x2a: {  	_ = 	snop;
	(pc) =	sbr.rel @!p1 .LBB2_4-.Ltmp3, $4  }
0x2b: {  	_ = 	snop  }
0x2c: {  	[spmem:s3] =	stream.indirect.scatter.add.f32 [tilespmem:s13], [sflag:$0x1], $0x80, s5, s14, $0xb8;
	[tilespmem:$0x18C80] =	vst v63  }
0x2d: {  	_ =	swait.ge [sflag:s12], $0x4000  }
0x2e: {  	s17 =	simm.s32 $0x0;
	[sflag:s12] =	ssyncset.done $0x0  }
.LBB2_3:
0x2f: {  	s16 =	sadd.s32 $0x1, s16  }
0x30: {  	[sflag:s12] =	ssyncadd.s32 $0xFFFFC000;
	s17 =	sadd.s32 $0x80, s17;
	p1 =	slt.s32 s16, s7  }
.Ltmp4:
0x31: {  	(pc) =	sbr.rel @p1 .LBB2_3-.Ltmp4, $4  }
0x32: {  	_ = 	snop  }
0x33: {  	[spmem:s3] =	stream.indirect.scatter.add.f32 [tilespmem:s13], [sflag:$0x1], $0x80, s17, s14, $0xb8;
	[tilespmem:$0x18C80] =	vst v63  }
0x34: {  	_ =	swait.ge [sflag:s12], $0x4000  }
0x35: {  	[sflag:s12] =	ssyncset.done $0x0  }
.Ltmp5:
0x36: {  	_ = 	snop;
	(pc) =	sbr.rel .LBB2_4-.Ltmp5, $1  }
0x37: {  	_ =	sdelay $0x3  }
.LBB2_6:
0x38: {  	_ =	sfence.sel $0x180000  }
0x39: {  	[bflag:$0x0] =	sbarrier.arrive $0xFFFF  }
0x3a: {  	p0 =	sne.s32 s4, $0x0;
	_ =	strace $0x90000047  }
0x3b: {  	s0 =	sadd.s32 @!p0 $0x100000, s0;
	[bflag:$0x2] =	sbarrier.arrive $0xFFFF  }
0x3c: {  	[sflag:s0] =	ssyncadd.tile.s32 @!p0 $0x1;
	_ =	shalt  }
.Lfunc_end2:
_tile_overlayer_lowered:
.L_overlay_start_2:
0x3d: {  	(tag) =	ssettag $0x2  }
0x3e: {  	s0 =	rddreg [dreg:$0x0];
	s2 =	stileid.u32  }
0x3f: {  	s1 =	rddreg [dreg:$0x1];
	p0 =	sne.s32 s2, $0x0  }
0x40: {  	s3 =	rddreg [dreg:$0x2];
	[bflag:$0x3] =	sbarrier.arrive $0xFFFF;
	s2 =	simm.s32 @!p0 $0x1C01  }
0x41: {  	[timem:s3], [sflag:s2] =	dma.local @!p0 [hbm:s0], s1  }
0x42: {  	s0 =	simm.s32 @!p0 $0x1  }
0x43: {  	_ =	swait.ge @!p0 [sflag:s0], s1  }
0x44: {  	s1 =	ssub.s32 @!p0 $0x0, s1;
	[sflag:s0] =	ssyncset.done @!p0 $0x0  }
0x45: {  	[sflag:s0] =	ssyncadd.s32 @!p0 s1  }
0x46: {  	[bflag:$0x3] =	sbarrier.arrive $0xFFFF  }
0x47: {  	_ =	shalt  }

</sc_bundles>
